<compile_context>
chip_gen: v7x
topology: tpu7x:2x2x1
jax: 0.10.2.dev20260603
libtpu: 0.0.44.dev20260713+nightly
codegen_flags: <defaults>
</compile_context>

<pallas_src>
import jax
import jax.numpy as jnp
from jax import lax
from jax.experimental import pallas as pl
from jax.experimental.pallas import tpu as pltpu
from jax.experimental.pallas import tpu_sc as plsc

_B = 8192
_IN = 3072
_H = 2048
_L = 64
_K = 1024

_BM = 512
_HALF = _B // 2
_HB = _HALF // _BM

_NW = 32
_BPW = _HALF // _NW
_LP = 128

_NT = (((1,), (1,)), ((), ()))


def _encoder_math(x_ref, w1_ref, b1_ref, w2_ref, b2_ref, et_ref, ze_ref,
                  idx_ref):
    h = jnp.maximum(
        lax.dot_general(x_ref[...], w1_ref[...], _NT,
                        preferred_element_type=jnp.float32) + b1_ref[...], 0.0)
    z = lax.dot_general(h, w2_ref[...], _NT,
                        preferred_element_type=jnp.float32) + b2_ref[...]
    ze_ref[...] = z
    et = et_ref[...]
    scores = jnp.dot(z, et, preferred_element_type=jnp.float32)
    z2 = jnp.sum(z * z, axis=1, keepdims=True)
    e2 = jnp.sum(et * et, axis=0, keepdims=True)
    d2 = z2 + e2 - 2.0 * scores
    dist = jnp.sqrt(jnp.maximum(d2, 1e-12))
    m = jnp.min(dist, axis=1, keepdims=True)
    ii = lax.broadcasted_iota(jnp.int32, dist.shape, 1)
    idx_ref[...] = jnp.min(jnp.where(dist == m, ii, jnp.int32(_K)), axis=1,
                           keepdims=True)


def _encoder_body0(x_ref, w1_ref, b1_ref, w2_ref, b2_ref, et_ref, ze_ref,
                   idx_ref):
    _encoder_math(x_ref, w1_ref, b1_ref, w2_ref, b2_ref, et_ref, ze_ref,
                  idx_ref)


def _encoder_body1(x_ref, w1_ref, b1_ref, w2_ref, b2_ref, et_ref, ze_any,
                   ze_ref, idx_ref):
    _encoder_math(x_ref, w1_ref, b1_ref, w2_ref, b2_ref, et_ref, ze_ref,
                  idx_ref)


def _decoder_math(zq_ref, w3_ref, b3_ref, w4_ref, b4_ref, xr_ref, zqo_ref):
    zq = zq_ref[...][:, :_L]
    zqo_ref[...] = zq
    h = jnp.maximum(
        lax.dot_general(zq.astype(jnp.bfloat16), w3_ref[...], _NT,
                        preferred_element_type=jnp.float32) + b3_ref[...], 0.0)
    xr_ref[...] = jax.nn.sigmoid(
        lax.dot_general(h.astype(jnp.bfloat16), w4_ref[...], _NT,
                        preferred_element_type=jnp.float32) + b4_ref[...])


def _decoder_body0(zq_ref, w3_ref, b3_ref, w4_ref, b4_ref, xr_ref, zqo_ref):
    _decoder_math(zq_ref, w3_ref, b3_ref, w4_ref, b4_ref, xr_ref, zqo_ref)


def _decoder_body1(zq_ref, w3_ref, b3_ref, w4_ref, b4_ref, xr_any, zqo_any,
                   xr_ref, zqo_ref):
    _decoder_math(zq_ref, w3_ref, b3_ref, w4_ref, b4_ref, xr_ref, zqo_ref)


def _full(shape):
    return pl.BlockSpec(shape, lambda i: (0, 0))


def _encoder_call(x, W1, b1, W2, b2, embT, half, ze_buf=None):
    off = half * _HB
    base_specs = [
        pl.BlockSpec((_BM, _IN), lambda i: (i + off, 0)),
        _full((_H, _IN)),
        _full((1, _H)),
        _full((_L, _H)),
        _full((1, _L)),
        _full((_L, _K)),
    ]
    args = [x, W1, b1, W2, b2, embT]
    if half == 0:
        body, aliases = _encoder_body0, {}
    else:
        body, aliases = _encoder_body1, {6: 0}
        base_specs.append(pl.BlockSpec(memory_space=pl.ANY))
        args.append(ze_buf)
    return pl.pallas_call(
        body,
        grid=(_HB,),
        in_specs=base_specs,
        out_specs=(
            pl.BlockSpec((_BM, _L), lambda i: (i + off, 0)),
            pl.BlockSpec((_BM, 1), lambda i: (i, 0)),
        ),
        out_shape=(
            jax.ShapeDtypeStruct((_B, _L), jnp.float32),
            jax.ShapeDtypeStruct((_HALF, 1), jnp.int32),
        ),
        input_output_aliases=aliases,
        compiler_params=pltpu.CompilerParams(
            dimension_semantics=("arbitrary",)),
    )(*args)


_DEC_OUT_SHAPE = (
    jax.ShapeDtypeStruct((_B, _IN), jnp.float32),
    jax.ShapeDtypeStruct((_B, _L), jnp.float32),
)


def _decoder_call(zq_half, W3, b3, W4, b4, half, xr_buf=None, zqo_buf=None):
    off = half * _HB
    base_specs = [
        pl.BlockSpec((_BM, _LP), lambda i: (i, 0)),
        _full((_H, _L)),
        _full((1, _H)),
        _full((_IN, _H)),
        _full((1, _IN)),
    ]
    args = [zq_half, W3, b3, W4, b4]
    if half == 0:
        body, aliases = _decoder_body0, {}
    else:
        body, aliases = _decoder_body1, {5: 0, 6: 1}
        base_specs.append(pl.BlockSpec(memory_space=pl.ANY))
        base_specs.append(pl.BlockSpec(memory_space=pl.ANY))
        args.append(xr_buf)
        args.append(zqo_buf)
    return pl.pallas_call(
        body,
        grid=(_HB,),
        in_specs=base_specs,
        out_specs=(
            pl.BlockSpec((_BM, _IN), lambda i: (i + off, 0)),
            pl.BlockSpec((_BM, _L), lambda i: (i + off, 0)),
        ),
        out_shape=_DEC_OUT_SHAPE,
        input_output_aliases=aliases,
        compiler_params=pltpu.CompilerParams(
            dimension_semantics=("arbitrary",)),
    )(*args)


def _sc_gather_kernel(table_hbm, idx_hbm, out_hbm, tab_sh, idx_v, rows_v, sem):
    cid = lax.axis_index("c")
    sid = lax.axis_index("s")
    wid = sid * 2 + cid

    @pl.when(sid == 0)
    def _stage():
        pltpu.sync_copy(table_hbm, tab_sh)

    plsc.subcore_barrier()
    pltpu.sync_copy(idx_hbm.at[pl.ds(wid, 1)], idx_v)
    pltpu.async_copy(tab_sh.at[idx_v.at[0]], rows_v, sem).wait()
    pltpu.sync_copy(rows_v, out_hbm.at[pl.ds(wid * _BPW, _BPW)])


@jax.jit
def _sc_gather(table_padded, idx2d):
    mesh = plsc.VectorSubcoreMesh(core_axis_name="c", subcore_axis_name="s")
    return pl.kernel(
        _sc_gather_kernel,
        mesh=mesh,
        out_type=jax.ShapeDtypeStruct((_HALF, _LP), jnp.float32),
        scratch_types=[
            pltpu.VMEM_SHARED((_K, _LP), jnp.float32),
            pltpu.VMEM((1, _BPW), jnp.int32),
            pltpu.VMEM((_BPW, _LP), jnp.float32),
            pltpu.SemaphoreType.DMA,
        ],
    )(table_padded, idx2d)


def kernel(x, W1, b1, W2, b2, W3, b3, W4, b4, embedding):
    embT = embedding.T
    table_padded = jnp.pad(embedding, ((0, 0), (0, _LP - _L)))
    b1r = b1.reshape(1, _H)
    b2r = b2.reshape(1, _L)
    b3r = b3.reshape(1, _H)
    b4r = b4.reshape(1, _IN)

    ze_p, idx0 = _encoder_call(x, W1, b1r, W2, b2r, embT, 0)
    zq0 = _sc_gather(table_padded, idx0.reshape(_NW, _BPW))
    z_e, idx1 = _encoder_call(x, W1, b1r, W2, b2r, embT, 1, ze_buf=ze_p)
    zq1 = _sc_gather(table_padded, idx1.reshape(_NW, _BPW))
    W3b = W3.astype(jnp.bfloat16)
    W4b = W4.astype(jnp.bfloat16)
    xr_p, zqo_p = _decoder_call(zq0, W3b, b3r, W4b, b4r, 0)
    x_recon, z_q = _decoder_call(zq1, W3b, b3r, W4b, b4r, 1, xr_buf=xr_p,
                                 zqo_buf=zqo_p)
    return (x_recon, z_e, z_q)

# --- scband reference (transcript-rebuilt; emitter-appended) ---
"""Pipeline reference for scband-vqvae-4002909520242 (READ-ONLY COPY).

The authoritative reference and input builder live on the scoring server;
editing this copy changes nothing except your own understanding.
"""

import jax, jax.numpy as jnp
import numpy as np

B = 8192
IN = 3072
H = 2048
L = 64
K = 1024

def _linear_params(k, out_d, in_d):
    bound = 1.0 / np.sqrt(in_d)
    kw, kb = jax.random.split(k)
    W = jax.random.uniform(kw, (out_d, in_d), minval=-bound, maxval=bound, dtype=jnp.float32)
    b = jax.random.uniform(kb, (out_d,), minval=-bound, maxval=bound, dtype=jnp.float32)
    return W, b

def setup_inputs(seed: int = 0) -> dict:
    key = jax.random.key(seed)
    ks = jax.random.split(key, 6)
    x = jax.random.normal(ks[0], (B, IN), dtype=jnp.float32)
    W1, b1 = _linear_params(ks[1], H, IN)
    W2, b2 = _linear_params(ks[2], L, H)
    W3, b3 = _linear_params(ks[3], H, L)
    W4, b4 = _linear_params(ks[4], IN, H)
    embedding = jax.random.normal(ks[5], (K, L), dtype=jnp.float32)
    return {"x": x, "W1": W1, "b1": b1, "W2": W2, "b2": b2,
            "W3": W3, "b3": b3, "W4": W4, "b4": b4, "embedding": embedding}

def reference(x, W1, b1, W2, b2, W3, b3, W4, b4, embedding):
    # encoder: Linear -> ReLU -> Linear
    z_e = jax.nn.relu(x @ W1.T + b1) @ W2.T + b2
    # quantize: cdist (euclidean) + argmin + codebook gather
    d2 = (jnp.sum(z_e * z_e, axis=1, keepdims=True)
          + jnp.sum(embedding * embedding, axis=1)[None, :]
          - 2.0 * (z_e @ embedding.T))
    distances = jnp.sqrt(jnp.maximum(d2, 1e-12))
    encoding_indices = jnp.argmin(distances, axis=1)
    z_q = jnp.take(embedding, encoding_indices, axis=0)
    # decoder: Linear -> ReLU -> Linear -> Sigmoid
    h = jax.nn.relu(z_q @ W3.T + b3)
    x_recon = jax.nn.sigmoid(h @ W4.T + b4)
    return (x_recon, z_e, z_q)

if __name__ == "__main__":
    import jax
    _d = setup_inputs()
    print(jax.jit(kernel)(*tuple(_d.values())))

</pallas_src>

<mosaic_0001>
#map = affine_map<(d0, d1) -> (0, 0)>
module attributes {stable_mosaic.version = 14 : i64} {
  func.func @_sc_gather_kernel(%arg0: i32, %arg1: i32, %arg2: memref<1024x128xf32, #tpu.memory_space<hbm>>, %arg3: memref<32x128xi32, #tpu.memory_space<hbm>>, %arg4: memref<4096x128xf32, #tpu.memory_space<hbm>>, %arg5: memref<1024x128xf32, #tpu.memory_space<vmem_shared>>, %arg6: memref<1x128xi32, #tpu.memory_space<vmem>>, %arg7: memref<128x128xf32, #tpu.memory_space<vmem>>, %arg8: memref<!tpu.dma_semaphore, #tpu.memory_space<semaphore_mem>>) attributes {dimension_semantics = [#tpu.dimension_semantics<core_parallel>, #tpu.dimension_semantics<subcore_parallel>], iteration_bounds = array<i64: 2, 16>, scalar_prefetch = 0 : i64, scratch_operands = 4 : i64, tpu.core_type = #tpu.core_type<sc_vector_subcore>, window_params = [{transform_indices = #map}, {transform_indices = #map}, {transform_indices = #map}]} {
    %mul3A = arith.constant 2 : i32
    %mul3A_0 = arith.muli %arg1, %mul3A : i32
    %add3A = arith.addi %mul3A_0, %arg0 : i32
    %eq3A = arith.constant 0 : i32
    %eq3A_1 = arith.cmpi eq, %arg1, %eq3A : i32
    %convert_element_type3A = arith.extui %eq3A_1 : i1 to i32
    %cond3A = arith.constant 0 : i32
    %cond3A_2 = arith.cmpi ne, %convert_element_type3A, %cond3A : i32
    scf.if %cond3A_2 {
      "tpu.region"() ({
        %run_scoped3A = tpu.sem_alloc : memref<!tpu.dma_semaphore, #tpu.memory_space<semaphore_mem>>
        tpu.enqueue_dma source(%arg2 : memref<1024x128xf32, #tpu.memory_space<hbm>>) target(%arg5 : memref<1024x128xf32, #tpu.memory_space<vmem_shared>>) target_semaphore(%run_scoped3A : memref<!tpu.dma_semaphore, #tpu.memory_space<semaphore_mem>>)
        tpu.wait_dma2 semaphore(%run_scoped3A : memref<!tpu.dma_semaphore, #tpu.memory_space<semaphore_mem>>) src(%arg2 : memref<1024x128xf32, #tpu.memory_space<hbm>>) dst(%arg5 : memref<1024x128xf32, #tpu.memory_space<vmem_shared>>)
        tpu.yield
      }) : () -> ()
    } else {
    }
    %barrier3A = arith.constant 0 : index
    tpu.barrier barrier_id(%barrier3A)
    "tpu.region"() ({
      %run_scoped3A = tpu.sem_alloc : memref<!tpu.dma_semaphore, #tpu.memory_space<semaphore_mem>>
      %dma_start3A_17 = arith.constant 0 : i32
      %dma_start3A_18 = tpu.memref_slice %arg3[%add3A, %dma_start3A_17] : memref<32x128xi32, #tpu.memory_space<hbm>> -> memref<1x128xi32, #tpu.memory_space<hbm>>
      %dma_start3A_19 = arith.constant 0 : i32
      %dma_start3A_20 = tpu.memref_slice %arg3[%add3A, %dma_start3A_19] : memref<32x128xi32, #tpu.memory_space<hbm>> -> memref<1x128xi32, #tpu.memory_space<hbm>>
      tpu.enqueue_dma source(%dma_start3A_20 : memref<1x128xi32, #tpu.memory_space<hbm>>) target(%arg6 : memref<1x128xi32, #tpu.memory_space<vmem>>) target_semaphore(%run_scoped3A : memref<!tpu.dma_semaphore, #tpu.memory_space<semaphore_mem>>)
      %dma_wait3A_21 = arith.constant 0 : i32
      %dma_wait3A_22 = tpu.memref_slice %arg3[%add3A, %dma_wait3A_21] : memref<32x128xi32, #tpu.memory_space<hbm>> -> memref<1x128xi32, #tpu.memory_space<hbm>>
      %dma_wait3A_23 = arith.constant 0 : i32
      %dma_wait3A_24 = tpu.memref_slice %arg3[%add3A, %dma_wait3A_23] : memref<32x128xi32, #tpu.memory_space<hbm>> -> memref<1x128xi32, #tpu.memory_space<hbm>>
      tpu.wait_dma2 semaphore(%run_scoped3A : memref<!tpu.dma_semaphore, #tpu.memory_space<semaphore_mem>>) src(%dma_wait3A_24 : memref<1x128xi32, #tpu.memory_space<hbm>>) dst(%arg6 : memref<1x128xi32, #tpu.memory_space<vmem>>)
      tpu.yield
    }) : () -> ()
    %dma_start3A = arith.constant 0 : i32
    %dma_start3A_3 = arith.constant 0 : i32
    %dma_start3A_4 = tpu.memref_slice %arg6[%dma_start3A, %dma_start3A_3] : memref<1x128xi32, #tpu.memory_space<vmem>> -> memref<1x128xi32, #tpu.memory_space<vmem>>
    %dma_start3A_5 = tpu.memref_squeeze %dma_start3A_4 : memref<1x128xi32, #tpu.memory_space<vmem>> -> memref<128xi32, #tpu.memory_space<vmem>>
    %dma_start3A_6 = arith.constant 0 : i32
    %dma_start3A_7 = arith.constant 0 : i32
    %dma_start3A_8 = tpu.memref_slice %arg5[%dma_start3A_6, %dma_start3A_7] : memref<1024x128xf32, #tpu.memory_space<vmem_shared>> -> memref<1024x128xf32, #tpu.memory_space<vmem_shared>>
    tpu.enqueue_indirect_dma source(%dma_start3A_8 : memref<1024x128xf32, #tpu.memory_space<vmem_shared>>) target(%arg7 : memref<128x128xf32, #tpu.memory_space<vmem>>) offsets(%dma_start3A_5 : memref<128xi32, #tpu.memory_space<vmem>>) semaphore(%arg8 : memref<!tpu.dma_semaphore, #tpu.memory_space<semaphore_mem>>)
    %dma_wait3A = arith.constant 0 : i32
    %dma_wait3A_9 = arith.constant 0 : i32
    %dma_wait3A_10 = tpu.memref_slice %arg6[%dma_wait3A, %dma_wait3A_9] : memref<1x128xi32, #tpu.memory_space<vmem>> -> memref<1x128xi32, #tpu.memory_space<vmem>>
    %dma_wait3A_11 = tpu.memref_squeeze %dma_wait3A_10 : memref<1x128xi32, #tpu.memory_space<vmem>> -> memref<128xi32, #tpu.memory_space<vmem>>
    %dma_wait3A_12 = arith.constant 0 : i32
    %dma_wait3A_13 = arith.constant 0 : i32
    %dma_wait3A_14 = tpu.memref_slice %arg5[%dma_wait3A_12, %dma_wait3A_13] : memref<1024x128xf32, #tpu.memory_space<vmem_shared>> -> memref<1024x128xf32, #tpu.memory_space<vmem_shared>>
    tpu.wait_indirect_dma semaphore(%arg8 : memref<!tpu.dma_semaphore, #tpu.memory_space<semaphore_mem>>) src(%dma_wait3A_14 : memref<1024x128xf32, #tpu.memory_space<vmem_shared>>) dst(%arg7 : memref<128x128xf32, #tpu.memory_space<vmem>>)
    %mul3A_15 = arith.constant 128 : i32
    %mul3A_16 = arith.muli %add3A, %mul3A_15 : i32
    "tpu.region"() ({
      %run_scoped3A = tpu.sem_alloc : memref<!tpu.dma_semaphore, #tpu.memory_space<semaphore_mem>>
      %dma_start3A_17 = arith.constant 0 : i32
      %dma_start3A_18 = tpu.memref_slice %arg4[%mul3A_16, %dma_start3A_17] : memref<4096x128xf32, #tpu.memory_space<hbm>> -> memref<128x128xf32, #tpu.memory_space<hbm>>
      %dma_start3A_19 = arith.constant 0 : i32
      %dma_start3A_20 = tpu.memref_slice %arg4[%mul3A_16, %dma_start3A_19] : memref<4096x128xf32, #tpu.memory_space<hbm>> -> memref<128x128xf32, #tpu.memory_space<hbm>>
      tpu.enqueue_dma source(%arg7 : memref<128x128xf32, #tpu.memory_space<vmem>>) target(%dma_start3A_20 : memref<128x128xf32, #tpu.memory_space<hbm>>) target_semaphore(%run_scoped3A : memref<!tpu.dma_semaphore, #tpu.memory_space<semaphore_mem>>)
      %dma_wait3A_21 = arith.constant 0 : i32
      %dma_wait3A_22 = tpu.memref_slice %arg4[%mul3A_16, %dma_wait3A_21] : memref<4096x128xf32, #tpu.memory_space<hbm>> -> memref<128x128xf32, #tpu.memory_space<hbm>>
      %dma_wait3A_23 = arith.constant 0 : i32
      %dma_wait3A_24 = tpu.memref_slice %arg4[%mul3A_16, %dma_wait3A_23] : memref<4096x128xf32, #tpu.memory_space<hbm>> -> memref<128x128xf32, #tpu.memory_space<hbm>>
      tpu.wait_dma2 semaphore(%run_scoped3A : memref<!tpu.dma_semaphore, #tpu.memory_space<semaphore_mem>>) src(%arg7 : memref<128x128xf32, #tpu.memory_space<vmem>>) dst(%dma_wait3A_24 : memref<128x128xf32, #tpu.memory_space<hbm>>)
      tpu.yield
    }) : () -> ()
    return
  }
}

</mosaic_0001>

<sc_bundles>
// kernel: _sc_gather.3.cloned.1.call-start
scs
__scs_entry_jumppad:
0x0: {  	(pc) =	sbr.rel $0x88, $3  }
0x1: {  	(tag) =	ssettag $0x0;
	lr =	simm.s32 $0x1  }
0x2: {  	[smem:$0x3F9F] =	sst lr;
	_ =	strace $0xD0000000  }
0x3: {  	_ = 	snop  }
0x4: {  	_ = 	snop  }
0x5: {  	_ = 	snop  }
0x6: {  	_ = 	snop  }
0x7: {  	_ = 	snop  }
__scs_overlays_trampoline_lowered:
0x8: {  	[smem:$0x3FAE] =	sst s0  }
0x9: {  	[smem:$0x3FAF] =	sst s1  }
0xa: {  	[smem:$0x3FB0] =	sst s2  }
0xb: {  	[smem:$0x3FB1] =	sst s3  }
0xc: {  	[smem:$0x3FB2] =	sst s4  }
0xd: {  	[smem:$0x3FB3] =	sst s5  }
0xe: {  	[smem:$0x3FB4] =	sst s6  }
0xf: {  	[smem:$0x3FB5] =	sst s7  }
0x10: {  	[smem:$0x3FB6] =	sst s8  }
0x11: {  	[smem:$0x3FB7] =	sst s9;
	s0 =	simm.s32 @!p0 $0x0  }
0x12: {  	s1 =	sld [smem:$0x3F9D];
	s0 =	simm.s32 @p0 $0x1  }
0x13: {  	[smem:$0x3FB8] =	sst s0;
	s0 =	simm.s32 @!p1 $0x0  }
0x14: {  	s2 =	sld [smem:$0x3F9C];
	s0 =	simm.s32 @p1 $0x1  }
0x15: {  	[smem:$0x3FB9] =	sst s0;
	s0 =	simm.s32 @!p2 $0x0  }
0x16: {  	s3 =	sld [smem:$0x3FDB];
	s0 =	simm.s32 @p2 $0x1  }
0x17: {  	s4 =	simm.s32 $0x1BF5;
	[smem:$0x3FBB] =	sst s0  }
0x18: {  	s0 =	sld [smem:$0x3F9E];
	_ =	swait.ge [sflag:s4], $0x0  }
0x19: {  	s7 =	sld [smem:$0x3F9F]  }
0x1a: {  	s8 =	sadd.s32 $0xFFFFE003, lr  }
0x1b: {  	s9 =	sadd.s32 $0xFFFFFEF7, lr;
	s5 =	simm.s32 $0xFFFFFFFF;
	p2 =	slt.u32 s8, $0xFFFFF086  }
0x1c: {  	p1 =	slt.u32 s9, $0xF7A;
	s5 =	simm.s32 @!p2 $0x0  }
0x1d: {  	s5 =	simm.s32 @p1 $0x1;
	p0 =	seq.s32 s7, s2  }
0x1e: {  	s7 =	smul.u32 @!p0 $0xF7A, s2;
	p2 =	seq.s32 @!p0 s5, $0x0  }
0x1f: {  	s9 =	smul.u32 $0xF7A, s1;
	s8 =	simm.s32 @!p0 $0x1BF5;
	p2 =	por !p2, p0  }
0x20: {  	[sflag:s8] =	ssyncset.s32 @!p0 $0xFFFFF086;
	s6 =	sadd.s32 @!p0 s3, s7;
	s7 =	simm.s32 @!p0 $0x108  }
0x21: {  	s3 =	sadd.s32 s3, s9;
	s6 =	sadd.s32 @!p0 $0x88, s6;
	s7 =	simm.s32 @p2 $0x1082  }
0x22: {  	[simem:s7], [sflag:s8] =	dma.local @!p0 [hbm:s6], $0xF7A  }
0x23: {  	s9 =	sor.u32 $0xD0000000, s2;
	s6 =	simm.s32 $0x108;
	_ =	swait.ge @!p0 [sflag:s8], $0x0  }
0x24: {  	s3 =	sadd.s32 $0x88, s3;
	s6 =	simm.s32 @!p1 $0x1082;
	[sflag:s4] =	ssyncset.s32 $0xFFFFF086  }
0x25: {  	[simem:s6], [sflag:s4] =	dma.local [hbm:s3], $0xF7A  }
0x26: {  	[smem:$0x3F9F] =	sst s1;
	(tag) =	ssettag s2;
	_ =	strace s9  }
0x27: {  	s1 =	sld [smem:$0x3FAF]  }
0x28: {  	s2 =	sld [smem:$0x3FB0]  }
0x29: {  	s4 =	sld [smem:$0x3FB2]  }
0x2a: {  	p0 =	seq.s32 s5, $0x0;
	s5 =	sld [smem:$0x3FB3]  }
0x2b: {  	s6 =	sld [smem:$0x3FB4]  }
0x2c: {  	s7 =	sld [smem:$0x3FB5]  }
0x2d: {  	s3 =	simm.s32 $0x108;
	s8 =	sld [smem:$0x3FB6]  }
0x2e: {  	s3 =	simm.s32 @!p0 $0x1082;
	s9 =	sld [smem:$0x3FB7]  }
0x2f: {  	lr =	sadd.s32 s0, s3;
	s0 =	sld [smem:$0x3FAE]  }
0x30: {  	s3 =	sld [smem:$0x3FB1]  }
0x31: {  	[smem:$0x3FBA] =	sst s10  }
0x32: {  	s10 =	sld [smem:$0x3FB8];
	_ =	sdelay $0x3  }
0x33: {  	p0 =	seq.s32 s10, $0x1;
	s10 =	sld [smem:$0x3FBA];
	_ =	sdelay $0x3  }
0x34: {  	[smem:$0x3FBA] =	sst s10  }
0x35: {  	s10 =	sld [smem:$0x3FB9];
	_ =	sdelay $0x3  }
0x36: {  	p1 =	seq.s32 s10, $0x1;
	s10 =	sld [smem:$0x3FBA];
	_ =	sdelay $0x3  }
0x37: {  	[smem:$0x3FBA] =	sst s10  }
0x38: {  	s10 =	sld [smem:$0x3FBB]  }
0x39: {  	_ = 	snop;
	(pc) =	sbr.ind lr, $3  }
0x3a: {  	_ = 	snop  }
0x3b: {  	_ = 	snop  }
0x3c: {  	p2 =	seq.s32 s10, $0x1;
	s10 =	sld [smem:$0x3FBA]  }
0x3d: {  	_ =	shalt  }
0x3e: {  	_ =	shalt  }
0x3f: {  	_ =	shalt  }
0x40: {  	_ =	shalt  }
0x41: {  	_ =	shalt  }
0x42: {  	_ =	shalt  }
0x43: {  	_ =	shalt  }
0x44: {  	_ =	shalt  }
0x45: {  	_ =	shalt  }
0x46: {  	_ =	shalt  }
0x47: {  	_ =	shalt  }
0x48: {  	_ =	shalt  }
0x49: {  	_ =	shalt  }
0x4a: {  	_ =	shalt  }
0x4b: {  	_ =	shalt  }
0x4c: {  	_ =	shalt  }
0x4d: {  	_ =	shalt  }
0x4e: {  	_ =	shalt  }
0x4f: {  	_ =	shalt  }
0x50: {  	_ =	shalt  }
0x51: {  	_ =	shalt  }
0x52: {  	_ =	shalt  }
0x53: {  	_ =	shalt  }
0x54: {  	_ =	shalt  }
0x55: {  	_ =	shalt  }
0x56: {  	_ =	shalt  }
0x57: {  	_ =	shalt  }
0x58: {  	_ =	shalt  }
0x59: {  	_ =	shalt  }
0x5a: {  	_ =	shalt  }
0x5b: {  	_ =	shalt  }
0x5c: {  	_ =	shalt  }
0x5d: {  	_ =	shalt  }
0x5e: {  	_ =	shalt  }
0x5f: {  	_ =	shalt  }
0x60: {  	_ =	shalt  }
0x61: {  	_ =	shalt  }
0x62: {  	_ =	shalt  }
0x63: {  	_ =	shalt  }
0x64: {  	_ =	shalt  }
0x65: {  	_ =	shalt  }
0x66: {  	_ =	shalt  }
0x67: {  	_ =	shalt  }
0x68: {  	_ =	shalt  }
0x69: {  	_ =	shalt  }
0x6a: {  	_ =	shalt  }
0x6b: {  	_ =	shalt  }
0x6c: {  	_ =	shalt  }
0x6d: {  	_ =	shalt  }
0x6e: {  	_ =	shalt  }
0x6f: {  	_ =	shalt  }
0x70: {  	_ =	shalt  }
0x71: {  	_ =	shalt  }
0x72: {  	_ =	shalt  }
0x73: {  	_ =	shalt  }
0x74: {  	_ =	shalt  }
0x75: {  	_ =	shalt  }
0x76: {  	_ =	shalt  }
0x77: {  	_ =	shalt  }
0x78: {  	_ =	shalt  }
0x79: {  	_ =	shalt  }
0x7a: {  	_ =	shalt  }
0x7b: {  	_ =	shalt  }
0x7c: {  	_ =	shalt  }
0x7d: {  	_ =	shalt  }
0x7e: {  	_ =	shalt  }
0x7f: {  	_ =	shalt  }
0x80: {  	_ =	shalt  }
0x81: {  	_ =	shalt  }
0x82: {  	_ =	shalt  }
0x83: {  	_ =	shalt  }
0x84: {  	_ =	shalt  }
0x85: {  	_ =	shalt  }
0x86: {  	_ =	shalt  }
0x87: {  	_ =	shalt  }
.Lfunc_end0:
.L_simem_size_0:
called_computation_lowered:
.L_overlay_start_0:
0x88: {  	s2 =	sld [smem:$0x3FD9]  }
0x89: {  	s3 =	sld [smem:$0x3FFE];
	_ =	sdelay $0x1  }
0x8a: {  	s1 =	srdreg.scid  }
0x8b: {  	s0 =	sand.u32 $0x1, s1  }
0x8c: {  	s18 =	sshll.u32 s0, $0xA;
	s2 =	sadd.s32 s3, s2  }
0x8d: {  	s2 =	sadd.s32 s2, s18  }
0x8e: {  	[smem:$0x3FC6] =	sst s2  }
0x8f: {  	_ = 	snop  }
0x90: {  	s2 =	sld [smem:$0x3FC9]  }
0x91: {  	s19 =	sld [smem:$0x3FC8]  }
0x92: {  	s4 =	sld [smem:$0x3FD0];
	(tm) =	ssettm $0x1  }
0x93: {  	s5 =	sld [smem:$0x3FFB];
	_ =	sdelay $0x3  }
0x94: {  	_ =	strace s5  }
0x95: {  	s5 =	sld [smem:$0x3FFC];
	_ =	sdelay $0x3  }
0x96: {  	_ =	strace s5  }
0x97: {  	s5 =	sld [smem:$0x3FFD];
	_ =	sdelay $0x3  }
0x98: {  	_ =	strace s5  }
0x99: {  	_ =	strace $0x8FFFFFFF  }
0x9a: {  	s20 =	sld [smem:$0x3FDB];
	_ =	sdelay $0x1  }
0x9b: {  	s6 =	simm.s32 $_scs_section_size  }
0x9c: {  	s7 =	simm.s32 $_size__tile_overlayer_lowered;
	s8 =	simm.s32 $_tile_overlayer_lowered  }
0x9d: {  	s23 =	simm.s32 $0x1BFF;
	s22 =	sshll.u32 s8, $0x1;
	s5 =	sadd.s32 s6, s20  }
0x9e: {  	s9 =	simm.s32 $0x0;
	s21 =	sshll.u32 s7, $0x1;
	s7 =	sadd.s32 s22, s5  }
0x9f: {  	[timem:s9], [sflag:s23] =	dma.local [hbm:s7], s21  }
0xa0: {  	_ =	swait.ge [sflag:s23], s21  }
0xa1: {  	s6 =	ssub.s32 $0x0, s21;
	[sflag:s23] =	ssyncset.done $0x0  }
0xa2: {  	[sflag:s23] =	ssyncadd.s32 s6;
	_ =	sdelay $0x1  }
0xa3: {  	s24 =	simm.s32 $0x1B8B  }
0xa4: {  	_ =	swait.ge [sflag:s24], $0x1  }
0xa5: {  	[sflag:s24] =	ssyncset.done $0x0  }
0xa6: {  	s25 =	simm.s32 $0x1B8E;
	[sflag:s24] =	ssyncadd.s32 $0xFFFFFFFF  }
0xa7: {  	s26 =	simm.s32 $execute0_lowered;
	[smem:$0x3FD2] =	sst s25  }
0xa8: {  	s6 =	sshll.u32 s26, $0x1;
	_ =	strace $0x80000046;
	[dreg:$0x1] =	wrdreg $0xFFFFFFFF  }
0xa9: {  	s28 =	simm.s32 $_size_execute0_lowered;
	s5 =	sadd.s32 s5, s6;
	[dreg:$0x0] =	wrdreg $0x0  }
0xaa: {  	s6 =	sshll.u32 s28, $0x1;
	[dreg:$0x2] =	wrdreg s5  }
0xab: {  	[dreg:$0x3] =	wrdreg s6  }
0xac: {  	[dreg:$0x4] =	wrdreg $0xC0  }
0xad: {  	_ =	task [dreg:s9], $0x5FFFF  }
0xae: {  	[dreg:$0x1] =	wrdreg $0xFFFFFFFF  }
0xaf: {  	[dreg:$0x0] =	wrdreg $0x60  }
0xb0: {  	[dreg:$0x2] =	wrdreg s2  }
0xb1: {  	[dreg:$0x3] =	wrdreg s19  }
0xb2: {  	[dreg:$0x4] =	wrdreg s4  }
0xb3: {  	[dreg:$0x5] =	wrdreg $0x0  }
0xb4: {  	[dreg:$0x6] =	wrdreg $0x9  }
0xb5: {  	_ =	task.clear_ibuf [dreg:s9], $0x7FFFF;
	_ =	strace $0x90000046  }
0xb6: {  	s29 =	simm.s32 $0x9;
	_ =	strace $0x80000048  }
0xb7: {  	_ =	swait.ge [sflag:s29], $0x1  }
0xb8: {  	[sflag:s29] =	ssyncadd.s32 $0xFFFFFFFF  }
0xb9: {  	_ =	strace $0x90000048  }
0xba: {  	_ =	sfence  }
0xbb: {  	s30 =	sld [smem:$0x0];
	_ =	sdelay $0x2  }
0xbc: {  	s31 =	sshll.u32 s1, $0xD;
	s1 =	sshrl.u32 s1, $0x2  }
0xbd: {  	s3 =	sand.u32 $0x4000, s31;
	s1 =	sadd.s32 s1, s30  }
0xbe: {  	s0 =	sor.u32 s3, s0;
	s1 =	sshll.u32 s1, $0x11  }
0xbf: {  	s0 =	sor.u32 s1, s0  }
0xc0: {  	s0 =	sadd.s32 $0x8F2B, s0  }
0xc1: {  	[sflag:s0] =	ssyncadd.remote.s32 $0x1  }
0xc2: {  	_ =	sfence.sel $0xFFFF  }
0xc3: {  	[dreg:$0x0] =	wrdreg $0xFFFFFFFF;
	(pc) =	sbr.abs _section_cstart, $3  }
0xc4: {  	[dreg:$0x1] =	wrdreg $0xFFFFFFFF  }
0xc5: {  	_ =	task.clear_ibuf [dreg:s9], $0x2FFFF;
	_ =	strace $0x9FFFFFFF  }
0xc6: {  	(tm) =	ssettm $0x7FFFFFFF  }
0xc7: {  	_ =	shalt  }
tec
execute0_lowered:
.L_overlay_start_1:
0x0: {  	(tag) =	ssettag $0x1  }
0x1: {  	s6 =	srdreg.scid  }
0x2: {  	s3 =	rddreg [dreg:$0x0];
	s6 =	sand.u32 $0x1, s6  }
0x3: {  	s4 =	rddreg [dreg:$0x1];
	s9 =	ssub.s32 $0x2, s6  }
0x4: {  	s5 =	rddreg [dreg:$0x2];
	s29 =	sshrl.u32 s9, $0x1  }
0x5: {  	s1 =	rddreg [dreg:$0x3];
	s9 =	ssub.s32 s9, s29  }
0x6: {  	s0 =	rddreg [dreg:$0x4];
	s31 =	smax.u32 s9, $0x1  }
0x7: {  	s7 =	stileid.u32;
	s2 =	simm.s32 $0x0;
	s14 =	sadd.s32 $0xFFFFFFFF, s31  }
0x8: {  	p1 =	por $0x0, $0x0;
	s8 =	sshll.u32 s7, $0x1;
	p2 =	sne.s32 s14, $0x0  }
.Ltmp0:
0x9: {  	[smem:$0x7FF] =	sst s2;
	p0 =	sne.s32 s7, $0x0;
	(pc) =	sbr.rel @!p2 .LBB2_3-.Ltmp0, $4  }
0xa: {  	s7 =	simm.s32 $0x2000;
	s8 =	sor.u32 s6, s8;
	_ =	strace $0x80000047  }
0xb: {  	s11 =	sshrl.u32 @!p0 s1, $0x3;
	s10 =	sshll.u32 s8, $0x4;
	s30 =	sshll.u32 s8, $0xB  }
0xc: {  	s8 =	simm.s32 $0x2080;
	s6 =	sadd.s32 s4, s10;
	s4 =	sadd.s32 s5, s30  }
0xd: {  	s5 =	simm.s32 $0x2;
	s10 =	simm.s32 $0x1;
	s9 =	simm.s32 $0x80  }
0xe: {  	s12 =	simm.s32 @!p0 $0x1C02;
	s13 =	simm.s32 @!p0 $0x2  }
0xf: {  	[spmem:s11], [sflag:s12] =	dma.local @!p0 [hbm:s3], $0x4000  }
0x10: {  	_ =	swait.ge @!p0 [sflag:s13], $0x4000  }
0x11: {  	[sflag:s13] =	ssyncset.done @!p0 $0x0  }
0x12: {  	[sflag:s13] =	ssyncadd.s32 @!p0 $0xFFFFC000  }
0x13: {  	[bflag:$0x0] =	sbarrier.arrive $0xFFFF  }
0x14: {  	[tilespmem:s7], [sflag:$0x2] =	stream.linear.gather [hbm4b:s6+s2], $0x80, $0x38;
	[tilespmem:$0x6080] =	vst v63  }
0x15: {  	_ =	swait.ge [sflag:s5], $0x80  }
0x16: {  	[sflag:s5] =	ssyncset.done $0x0  }
0x17: {  	s14 =	sadd.s32 $0xFFFFFFFF, s14;
	[sflag:s5] =	ssyncadd.s32 $0xFFFFFF80  }
0x18: {  	[tilespmem:s8], [sflag:$0x1] =	stream.indirect.gather [spmem:s1], $0x80, s7, s9, $0xb8;
	[tilespmem:$0x6080] =	vst v63  }
0x19: {  	p2 =	sne.s32 s14, $0x0;
	_ =	swait.ge [sflag:s10], $0x4000  }
.Ltmp1:
0x1a: {  	[sflag:s10] =	ssyncset.done $0x0;
	(pc) =	sbr.rel @!p2 .LBB2_3-.Ltmp1, $4  }
0x1b: {  	[sflag:s10] =	ssyncadd.s32 $0xFFFFC000  }
0x1c: {  	[hbm4b:s4+s2] =	stream.linear.scatter [tilespmem:s8], [sflag:$0x2], $0x4000, $0x38;
	[tilespmem:$0x6080] =	vst v63  }
0x1d: {  	_ =	swait.ge [sflag:s5], $0x4000  }
0x1e: {  	p1 =	por $0x1, $0x1;
	[sflag:s5] =	ssyncset.done $0x0  }
.LBB2_2:
0x1f: {  	[sflag:s5] =	ssyncadd.s32 $0xFFFFC000  }
0x20: {  	[spmem:s11], [sflag:s12] =	dma.local @!p0 [hbm:s3], $0x4000  }
0x21: {  	s14 =	sadd.s32 $0xFFFFFFFF, s14;
	_ =	swait.ge @!p0 [sflag:s13], $0x4000  }
0x22: {  	p2 =	sne.s32 s14, $0x0;
	[sflag:s13] =	ssyncset.done @!p0 $0x0  }
0x23: {  	[sflag:s13] =	ssyncadd.s32 @!p0 $0xFFFFC000  }
0x24: {  	[bflag:$0x0] =	sbarrier.arrive $0xFFFF  }
0x25: {  	[tilespmem:s7], [sflag:$0x2] =	stream.linear.gather [hbm4b:s6+s2], $0x80, $0x38;
	[tilespmem:$0x6080] =	vst v63  }
0x26: {  	_ =	swait.ge [sflag:s5], $0x80  }
0x27: {  	[sflag:s5] =	ssyncset.done $0x0  }
0x28: {  	[sflag:s5] =	ssyncadd.s32 $0xFFFFFF80  }
0x29: {  	[tilespmem:s8], [sflag:$0x1] =	stream.indirect.gather [spmem:s1], $0x80, s7, s9, $0xb8;
	[tilespmem:$0x6080] =	vst v63  }
0x2a: {  	_ =	swait.ge [sflag:s10], $0x4000  }
.Ltmp2:
0x2b: {  	[sflag:s10] =	ssyncset.done $0x0;
	(pc) =	sbr.rel @p2 .LBB2_2-.Ltmp2, $4  }
0x2c: {  	[sflag:s10] =	ssyncadd.s32 $0xFFFFC000  }
0x2d: {  	[hbm4b:s4+s2] =	stream.linear.scatter [tilespmem:s8], [sflag:$0x2], $0x4000, $0x38;
	[tilespmem:$0x6080] =	vst v63  }
0x2e: {  	_ =	swait.ge [sflag:s5], $0x4000  }
0x2f: {  	[sflag:s5] =	ssyncset.done $0x0  }
.LBB2_3:
0x30: {  	s12 =	simm.s32 @!p0 $0x1C02;
	s13 =	simm.s32 @!p0 $0x2;
	[sflag:s5] =	ssyncadd.s32 @p1 $0xFFFFC000  }
0x31: {  	[spmem:s11], [sflag:s12] =	dma.local @!p0 [hbm:s3], $0x4000  }
0x32: {  	_ =	swait.ge @!p0 [sflag:s13], $0x4000  }
0x33: {  	[sflag:s13] =	ssyncset.done @!p0 $0x0  }
0x34: {  	[sflag:s13] =	ssyncadd.s32 @!p0 $0xFFFFC000  }
0x35: {  	[bflag:$0x0] =	sbarrier.arrive $0xFFFF  }
0x36: {  	[tilespmem:s7], [sflag:$0x2] =	stream.linear.gather [hbm4b:s6+s2], $0x80, $0x38;
	[tilespmem:$0x6080] =	vst v63  }
0x37: {  	_ =	swait.ge [sflag:s5], $0x80  }
0x38: {  	[sflag:s5] =	ssyncset.done $0x0  }
0x39: {  	[sflag:s5] =	ssyncadd.s32 $0xFFFFFF80  }
0x3a: {  	[tilespmem:s8], [sflag:$0x1] =	stream.indirect.gather [spmem:s1], $0x80, s7, s9, $0xb8;
	[tilespmem:$0x6080] =	vst v63  }
0x3b: {  	_ =	swait.ge [sflag:s10], $0x4000  }
0x3c: {  	[sflag:s10] =	ssyncset.done $0x0  }
0x3d: {  	[sflag:s10] =	ssyncadd.s32 $0xFFFFC000  }
0x3e: {  	[hbm4b:s4+s2] =	stream.linear.scatter [tilespmem:s8], [sflag:$0x2], $0x4000, $0x38;
	[tilespmem:$0x6080] =	vst v63  }
0x3f: {  	_ =	swait.ge [sflag:s5], $0x4000  }
0x40: {  	[sflag:s5] =	ssyncset.done $0x0  }
0x41: {  	[sflag:s5] =	ssyncadd.s32 $0xFFFFC000  }
0x42: {  	_ =	sfence.sel $0x180000  }
0x43: {  	[bflag:$0x0] =	sbarrier.arrive $0xFFFF  }
0x44: {  	_ =	strace $0x90000047  }
0x45: {  	s0 =	sadd.s32 @!p0 $0x100000, s0;
	[bflag:$0x2] =	sbarrier.arrive $0xFFFF  }
0x46: {  	[sflag:s0] =	ssyncadd.tile.s32 @!p0 $0x1;
	_ =	shalt  }
.Lfunc_end2:
_tile_overlayer_lowered:
.L_overlay_start_2:
0x47: {  	(tag) =	ssettag $0x2  }
0x48: {  	s0 =	rddreg [dreg:$0x0];
	s2 =	stileid.u32  }
0x49: {  	s1 =	rddreg [dreg:$0x1];
	p0 =	sne.s32 s2, $0x0  }
0x4a: {  	s3 =	rddreg [dreg:$0x2];
	[bflag:$0x3] =	sbarrier.arrive $0xFFFF;
	s2 =	simm.s32 @!p0 $0x1C02  }
0x4b: {  	[timem:s3], [sflag:s2] =	dma.local @!p0 [hbm:s0], s1  }
0x4c: {  	s0 =	simm.s32 @!p0 $0x2  }
0x4d: {  	_ =	swait.ge @!p0 [sflag:s0], s1  }
0x4e: {  	s1 =	ssub.s32 @!p0 $0x0, s1;
	[sflag:s0] =	ssyncset.done @!p0 $0x0  }
0x4f: {  	[sflag:s0] =	ssyncadd.s32 @!p0 s1  }
0x50: {  	[bflag:$0x3] =	sbarrier.arrive $0xFFFF  }
0x51: {  	_ =	shalt  }

</sc_bundles>
